<compile_context>
chip_gen: v7x
topology: tpu7x:2x2x1
jax: 0.10.2.dev20260603
libtpu: 0.0.44.dev20260713+nightly
codegen_flags: <defaults>
</compile_context>

<pallas_src>
import functools
import jax
import jax.numpy as jnp
from jax import lax
from jax.experimental import pallas as pl
from jax.experimental.pallas import tpu as pltpu
from jax.experimental.pallas import tpu_sc as plsc

_BLK = 2048


def _scs_gather_body(ts_hbm, w_hbm, row_hbm, ts_s):
    cid = lax.axis_index("c")

    @pl.when(cid == 0)
    def _():
        pltpu.sync_copy(ts_hbm, ts_s)
        t = ts_s[0]
        pltpu.sync_copy(w_hbm.at[pl.ds(t, 1)], row_hbm)


def _sc_gather(ts, W):
    D = W.shape[1]
    mesh = plsc.ScalarSubcoreMesh(axis_name="c")
    f = functools.partial(
        pl.kernel,
        mesh=mesh,
        out_type=jax.ShapeDtypeStruct((1, D), jnp.float32),
        scratch_types=[
            pltpu.SMEM((16,), jnp.int32),
        ],
    )(_scs_gather_body)
    return f(ts, W)


def _tc_body(x_ref, row_ref, o_ref):
    o_ref[...] = x_ref[...] + row_ref[0, :][None, :]


def kernel(x, timestep, W):
    B, D = x.shape
    ts = jnp.full((16,), timestep, dtype=jnp.int32)
    row = _sc_gather(ts, W)
    return pl.pallas_call(
        _tc_body,
        grid=(B // _BLK,),
        in_specs=[
            pl.BlockSpec((_BLK, D), lambda i: (i, 0)),
            pl.BlockSpec((1, D), lambda i: (0, 0)),
        ],
        out_specs=pl.BlockSpec((_BLK, D), lambda i: (i, 0)),
        out_shape=jax.ShapeDtypeStruct((B, D), x.dtype),
    )(x, row)

# --- scband reference (transcript-rebuilt; emitter-appended) ---
"""Pipeline reference for scband-timestep-encoding-4105988735051 (READ-ONLY COPY).

The authoritative reference and input builder live on the scoring server;
editing this copy changes nothing except your own understanding.
"""

import jax, jax.numpy as jnp
import numpy as np

B = 16384
D_MODEL = 1024
MAX_STEPS = 100
TIMESTEP = 42

def setup_inputs(seed: int = 0) -> dict:
    key = jax.random.key(seed)
    kx, kw = jax.random.split(key)
    x = jax.random.normal(kx, (B, D_MODEL), dtype=jnp.float32)
    W = jax.random.normal(kw, (MAX_STEPS, D_MODEL), dtype=jnp.float32)
    return {"x": x, "timestep": TIMESTEP, "W": W}

def reference(x, timestep, W):
    # torch: timestep_tensor = full((B,), timestep); emb = Embedding(timestep_tensor); x + emb
    timestep_tensor = jnp.full((x.shape[0],), timestep, dtype=jnp.int32)
    timestep_emb = jnp.take(W, timestep_tensor, axis=0)
    return x + timestep_emb

if __name__ == "__main__":
    import jax
    _d = setup_inputs()
    print(jax.jit(kernel)(*tuple(_d.values())))

</pallas_src>

<mosaic_0001>
#map = affine_map<(d0) -> (0)>
#map1 = affine_map<(d0) -> (0, 0)>
module attributes {stable_mosaic.version = 14 : i64} {
  func.func @_scs_gather_body(%arg0: i32, %arg1: memref<16xi32, #tpu.memory_space<hbm>>, %arg2: memref<100x1024xf32, #tpu.memory_space<hbm>>, %arg3: memref<1x1024xf32, #tpu.memory_space<hbm>>, %arg4: memref<16xi32, #tpu.memory_space<smem>>) attributes {dimension_semantics = [#tpu.dimension_semantics<core_parallel>], iteration_bounds = array<i64: 2>, scalar_prefetch = 0 : i64, scratch_operands = 1 : i64, tpu.core_type = #tpu.core_type<sc_scalar_subcore>, window_params = [{transform_indices = #map}, {transform_indices = #map1}, {transform_indices = #map1}]} {
    %eq3A = arith.constant 0 : i32
    %eq3A_0 = arith.cmpi eq, %arg0, %eq3A : i32
    %convert_element_type3A = arith.extui %eq3A_0 : i1 to i32
    %cond3A = arith.constant 0 : i32
    %cond3A_1 = arith.cmpi ne, %convert_element_type3A, %cond3A : i32
    scf.if %cond3A_1 {
      "tpu.region"() ({
        %run_scoped3A = tpu.sem_alloc : memref<!tpu.dma_semaphore, #tpu.memory_space<semaphore_mem>>
        tpu.enqueue_dma source(%arg1 : memref<16xi32, #tpu.memory_space<hbm>>) target(%arg4 : memref<16xi32, #tpu.memory_space<smem>>) target_semaphore(%run_scoped3A : memref<!tpu.dma_semaphore, #tpu.memory_space<semaphore_mem>>)
        tpu.wait_dma2 semaphore(%run_scoped3A : memref<!tpu.dma_semaphore, #tpu.memory_space<semaphore_mem>>) src(%arg1 : memref<16xi32, #tpu.memory_space<hbm>>) dst(%arg4 : memref<16xi32, #tpu.memory_space<smem>>)
        tpu.yield
      }) : () -> ()
      %get3A = arith.constant 0 : i32
      %get3A_2 = arith.index_cast %get3A : i32 to index
      %get3A_3 = memref.load %arg4[%get3A_2] : memref<16xi32, #tpu.memory_space<smem>>
      "tpu.region"() ({
        %run_scoped3A = tpu.sem_alloc : memref<!tpu.dma_semaphore, #tpu.memory_space<semaphore_mem>>
        %dma_start3A = arith.constant 0 : i32
        %dma_start3A_4 = tpu.memref_slice %arg2[%get3A_3, %dma_start3A] : memref<100x1024xf32, #tpu.memory_space<hbm>> -> memref<1x1024xf32, #tpu.memory_space<hbm>>
        tpu.enqueue_dma source(%dma_start3A_4 : memref<1x1024xf32, #tpu.memory_space<hbm>>) target(%arg3 : memref<1x1024xf32, #tpu.memory_space<hbm>>) target_semaphore(%run_scoped3A : memref<!tpu.dma_semaphore, #tpu.memory_space<semaphore_mem>>)
        %dma_wait3A = arith.constant 0 : i32
        %dma_wait3A_5 = tpu.memref_slice %arg2[%get3A_3, %dma_wait3A] : memref<100x1024xf32, #tpu.memory_space<hbm>> -> memref<1x1024xf32, #tpu.memory_space<hbm>>
        tpu.wait_dma2 semaphore(%run_scoped3A : memref<!tpu.dma_semaphore, #tpu.memory_space<semaphore_mem>>) src(%dma_wait3A_5 : memref<1x1024xf32, #tpu.memory_space<hbm>>) dst(%arg3 : memref<1x1024xf32, #tpu.memory_space<hbm>>)
        tpu.yield
      }) : () -> ()
    } else {
    }
    return
  }
}

module attributes {stable_mosaic.version = 14 : i64} {
  func.func @_tc_body(%arg0: i32, %arg1: memref<2048x1024xf32, #tpu.memory_space<vmem>>, %arg2: memref<1x1024xf32, #tpu.memory_space<vmem>>, %arg3: memref<2048x1024xf32, #tpu.memory_space<vmem>>) attributes {dimension_semantics = [#tpu.dimension_semantics<arbitrary>], iteration_bounds = array<i64: 8>, scalar_prefetch = 0 : i64, scratch_operands = 0 : i64, tpu.core_type = #tpu.core_type<tc>, window_params = [{transform_indices = @transform_0, window_bounds = array<i64: 2048, 1024>}, {pipeline_mode = #tpu.pipeline_mode<synchronous>, transform_indices = @transform_1, window_bounds = array<i64: 1, 1024>}, {transform_indices = @transform_2, window_bounds = array<i64: 2048, 1024>}]} {
    %get3A = arith.constant 0 : index
    %get3A_0 = arith.constant 0 : index
    %get3A_1 = vector.load %arg1[%get3A, %get3A_0] : memref<2048x1024xf32, #tpu.memory_space<vmem>>, vector<2048x1024xf32>
    %get3A_2 = arith.constant 0 : index
    %get3A_3 = arith.constant 0 : index
    %get3A_4 = vector.load %arg2[%get3A_2, %get3A_3] : memref<1x1024xf32, #tpu.memory_space<vmem>>, vector<1x1024xf32>
    %get3A_5 = vector.shape_cast %get3A_4 : vector<1x1024xf32> to vector<1024xf32>
    %broadcast_in_dim3A = vector.shape_cast %get3A_5 : vector<1024xf32> to vector<1x1024xf32>
    %add3A = vector.broadcast %broadcast_in_dim3A : vector<1x1024xf32> to vector<2048x1024xf32>
    %add3A_6 = arith.addf %get3A_1, %add3A : vector<2048x1024xf32>
    %swap3A = arith.constant 0 : index
    %swap3A_7 = arith.constant 0 : index
    %swap3A_8 = vector.load %arg3[%swap3A, %swap3A_7] : memref<2048x1024xf32, #tpu.memory_space<vmem>>, vector<2048x1024xf32>
    tpu.vector_store %arg3[%swap3A, %swap3A_7], %add3A_6 {strides = array<i32>} : memref<2048x1024xf32, #tpu.memory_space<vmem>>, vector<2048x1024xf32>,
    return
  }
  func.func @transform_0(%arg0: i32) -> (i32, i32) {
    %c0_i32 = arith.constant 0 : i32
    %c0_i32_0 = arith.constant 0 : i32
    return %arg0, %c0_i32 : i32, i32
  }
  func.func @transform_1(%arg0: i32) -> (i32, i32) {
    %c0_i32 = arith.constant 0 : i32
    %c0_i32_0 = arith.constant 0 : i32
    %c0_i32_1 = arith.constant 0 : i32
    return %c0_i32, %c0_i32_0 : i32, i32
  }
  func.func @transform_2(%arg0: i32) -> (i32, i32) {
    %c0_i32 = arith.constant 0 : i32
    %c0_i32_0 = arith.constant 0 : i32
    return %arg0, %c0_i32 : i32, i32
  }
}

</mosaic_0001>

<sc_bundles>
// kernel: kernel.4.cloned.1.call-start
scs
__scs_entry_jumppad:
0x0: {  	(pc) =	sbr.rel $0x88, $3  }
0x1: {  	(tag) =	ssettag $0x0;
	lr =	simm.s32 $0x1  }
0x2: {  	[smem:$0x3F9E] =	sst lr;
	_ =	strace $0xD0000000  }
0x3: {  	_ = 	snop  }
0x4: {  	_ = 	snop  }
0x5: {  	_ = 	snop  }
0x6: {  	_ = 	snop  }
0x7: {  	_ = 	snop  }
__scs_overlays_trampoline_lowered:
0x8: {  	[smem:$0x3FAD] =	sst s0  }
0x9: {  	[smem:$0x3FAE] =	sst s1  }
0xa: {  	[smem:$0x3FAF] =	sst s2  }
0xb: {  	[smem:$0x3FB0] =	sst s3  }
0xc: {  	[smem:$0x3FB1] =	sst s4  }
0xd: {  	[smem:$0x3FB2] =	sst s5  }
0xe: {  	[smem:$0x3FB3] =	sst s6  }
0xf: {  	[smem:$0x3FB4] =	sst s7  }
0x10: {  	[smem:$0x3FB5] =	sst s8  }
0x11: {  	[smem:$0x3FB6] =	sst s9;
	s0 =	simm.s32 @!p0 $0x0  }
0x12: {  	s1 =	sld [smem:$0x3F9C];
	s0 =	simm.s32 @p0 $0x1  }
0x13: {  	[smem:$0x3FB7] =	sst s0;
	s0 =	simm.s32 @!p1 $0x0  }
0x14: {  	s2 =	sld [smem:$0x3F9B];
	s0 =	simm.s32 @p1 $0x1  }
0x15: {  	[smem:$0x3FB8] =	sst s0;
	s0 =	simm.s32 @!p2 $0x0  }
0x16: {  	s3 =	sld [smem:$0x3FDB];
	s0 =	simm.s32 @p2 $0x1  }
0x17: {  	s4 =	simm.s32 $0x1BF5;
	[smem:$0x3FBA] =	sst s0  }
0x18: {  	s0 =	sld [smem:$0x3F9D];
	_ =	swait.ge [sflag:s4], $0x0  }
0x19: {  	s7 =	sld [smem:$0x3F9E]  }
0x1a: {  	s8 =	sadd.s32 $0xFFFFE003, lr  }
0x1b: {  	s9 =	sadd.s32 $0xFFFFFEF7, lr;
	s5 =	simm.s32 $0xFFFFFFFF;
	p2 =	slt.u32 s8, $0xFFFFF086  }
0x1c: {  	p1 =	slt.u32 s9, $0xF7A;
	s5 =	simm.s32 @!p2 $0x0  }
0x1d: {  	s5 =	simm.s32 @p1 $0x1;
	p0 =	seq.s32 s7, s2  }
0x1e: {  	s7 =	smul.u32 @!p0 $0xF7A, s2;
	p2 =	seq.s32 @!p0 s5, $0x0  }
0x1f: {  	s9 =	smul.u32 $0xF7A, s1;
	s8 =	simm.s32 @!p0 $0x1BF5;
	p2 =	por !p2, p0  }
0x20: {  	[sflag:s8] =	ssyncset.s32 @!p0 $0xFFFFF086;
	s6 =	sadd.s32 @!p0 s3, s7;
	s7 =	simm.s32 @!p0 $0x108  }
0x21: {  	s3 =	sadd.s32 s3, s9;
	s6 =	sadd.s32 @!p0 $0x88, s6;
	s7 =	simm.s32 @p2 $0x1082  }
0x22: {  	[simem:s7], [sflag:s8] =	dma.local @!p0 [hbm:s6], $0xF7A  }
0x23: {  	s9 =	sor.u32 $0xD0000000, s2;
	s6 =	simm.s32 $0x108;
	_ =	swait.ge @!p0 [sflag:s8], $0x0  }
0x24: {  	s3 =	sadd.s32 $0x88, s3;
	s6 =	simm.s32 @!p1 $0x1082;
	[sflag:s4] =	ssyncset.s32 $0xFFFFF086  }
0x25: {  	[simem:s6], [sflag:s4] =	dma.local [hbm:s3], $0xF7A  }
0x26: {  	[smem:$0x3F9E] =	sst s1;
	(tag) =	ssettag s2;
	_ =	strace s9  }
0x27: {  	s1 =	sld [smem:$0x3FAE]  }
0x28: {  	s2 =	sld [smem:$0x3FAF]  }
0x29: {  	s4 =	sld [smem:$0x3FB1]  }
0x2a: {  	p0 =	seq.s32 s5, $0x0;
	s5 =	sld [smem:$0x3FB2]  }
0x2b: {  	s6 =	sld [smem:$0x3FB3]  }
0x2c: {  	s7 =	sld [smem:$0x3FB4]  }
0x2d: {  	s3 =	simm.s32 $0x108;
	s8 =	sld [smem:$0x3FB5]  }
0x2e: {  	s3 =	simm.s32 @!p0 $0x1082;
	s9 =	sld [smem:$0x3FB6]  }
0x2f: {  	lr =	sadd.s32 s0, s3;
	s0 =	sld [smem:$0x3FAD]  }
0x30: {  	s3 =	sld [smem:$0x3FB0]  }
0x31: {  	[smem:$0x3FB9] =	sst s10  }
0x32: {  	s10 =	sld [smem:$0x3FB7];
	_ =	sdelay $0x3  }
0x33: {  	p0 =	seq.s32 s10, $0x1;
	s10 =	sld [smem:$0x3FB9];
	_ =	sdelay $0x3  }
0x34: {  	[smem:$0x3FB9] =	sst s10  }
0x35: {  	s10 =	sld [smem:$0x3FB8];
	_ =	sdelay $0x3  }
0x36: {  	p1 =	seq.s32 s10, $0x1;
	s10 =	sld [smem:$0x3FB9];
	_ =	sdelay $0x3  }
0x37: {  	[smem:$0x3FB9] =	sst s10  }
0x38: {  	s10 =	sld [smem:$0x3FBA]  }
0x39: {  	_ = 	snop;
	(pc) =	sbr.ind lr, $3  }
0x3a: {  	_ = 	snop  }
0x3b: {  	_ = 	snop  }
0x3c: {  	p2 =	seq.s32 s10, $0x1;
	s10 =	sld [smem:$0x3FB9]  }
0x3d: {  	_ =	shalt  }
0x3e: {  	_ =	shalt  }
0x3f: {  	_ =	shalt  }
0x40: {  	_ =	shalt  }
0x41: {  	_ =	shalt  }
0x42: {  	_ =	shalt  }
0x43: {  	_ =	shalt  }
0x44: {  	_ =	shalt  }
0x45: {  	_ =	shalt  }
0x46: {  	_ =	shalt  }
0x47: {  	_ =	shalt  }
0x48: {  	_ =	shalt  }
0x49: {  	_ =	shalt  }
0x4a: {  	_ =	shalt  }
0x4b: {  	_ =	shalt  }
0x4c: {  	_ =	shalt  }
0x4d: {  	_ =	shalt  }
0x4e: {  	_ =	shalt  }
0x4f: {  	_ =	shalt  }
0x50: {  	_ =	shalt  }
0x51: {  	_ =	shalt  }
0x52: {  	_ =	shalt  }
0x53: {  	_ =	shalt  }
0x54: {  	_ =	shalt  }
0x55: {  	_ =	shalt  }
0x56: {  	_ =	shalt  }
0x57: {  	_ =	shalt  }
0x58: {  	_ =	shalt  }
0x59: {  	_ =	shalt  }
0x5a: {  	_ =	shalt  }
0x5b: {  	_ =	shalt  }
0x5c: {  	_ =	shalt  }
0x5d: {  	_ =	shalt  }
0x5e: {  	_ =	shalt  }
0x5f: {  	_ =	shalt  }
0x60: {  	_ =	shalt  }
0x61: {  	_ =	shalt  }
0x62: {  	_ =	shalt  }
0x63: {  	_ =	shalt  }
0x64: {  	_ =	shalt  }
0x65: {  	_ =	shalt  }
0x66: {  	_ =	shalt  }
0x67: {  	_ =	shalt  }
0x68: {  	_ =	shalt  }
0x69: {  	_ =	shalt  }
0x6a: {  	_ =	shalt  }
0x6b: {  	_ =	shalt  }
0x6c: {  	_ =	shalt  }
0x6d: {  	_ =	shalt  }
0x6e: {  	_ =	shalt  }
0x6f: {  	_ =	shalt  }
0x70: {  	_ =	shalt  }
0x71: {  	_ =	shalt  }
0x72: {  	_ =	shalt  }
0x73: {  	_ =	shalt  }
0x74: {  	_ =	shalt  }
0x75: {  	_ =	shalt  }
0x76: {  	_ =	shalt  }
0x77: {  	_ =	shalt  }
0x78: {  	_ =	shalt  }
0x79: {  	_ =	shalt  }
0x7a: {  	_ =	shalt  }
0x7b: {  	_ =	shalt  }
0x7c: {  	_ =	shalt  }
0x7d: {  	_ =	shalt  }
0x7e: {  	_ =	shalt  }
0x7f: {  	_ =	shalt  }
0x80: {  	_ =	shalt  }
0x81: {  	_ =	shalt  }
0x82: {  	_ =	shalt  }
0x83: {  	_ =	shalt  }
0x84: {  	_ =	shalt  }
0x85: {  	_ =	shalt  }
0x86: {  	_ =	shalt  }
0x87: {  	_ =	shalt  }
.Lfunc_end0:
.L_simem_size_0:
called_computation_lowered:
.L_overlay_start_0:
0x88: {  	s0 =	sld [smem:$0x3FD9]  }
0x89: {  	s1 =	sld [smem:$0x3FFE];
	_ =	sdelay $0x1  }
0x8a: {  	s2 =	srdreg.scid  }
0x8b: {  	s3 =	sand.u32 $0x1, s2  }
0x8c: {  	s25 =	sshll.u32 s3, $0xA;
	s0 =	sadd.s32 s1, s0  }
0x8d: {  	s0 =	sadd.s32 s0, s25  }
0x8e: {  	s4 =	simm.s32 $0x0;
	[smem:$0x3FC5] =	sst s0  }
0x8f: {  	[smem:$0xF] =	sst s4  }
0x90: {  	s0 =	sld [smem:$0x3FC7]  }
0x91: {  	s1 =	sld [smem:$0x3FD0];
	(tm) =	ssettm $0x1  }
0x92: {  	s26 =	sld [smem:$0x3FFB];
	_ =	sdelay $0x3  }
0x93: {  	_ =	strace s26  }
0x94: {  	s4 =	sld [smem:$0x3FFC];
	_ =	sdelay $0x3  }
0x95: {  	_ =	strace s4  }
0x96: {  	s4 =	sld [smem:$0x3FFD];
	_ =	sdelay $0x3  }
0x97: {  	_ =	strace s4  }
0x98: {  	s28 =	simm.s32 $0x1B8B;
	_ =	strace $0x8FFFFFFF  }
0x99: {  	_ =	swait.ge [sflag:s28], $0x1  }
0x9a: {  	s5 =	sld [smem:$0x3FFE]  }
0x9b: {  	[sflag:s28] =	ssyncset.done $0x0  }
0x9c: {  	s29 =	simm.s32 $0x1B8E;
	p0 =	seq.s32 s3, $0x1;
	[sflag:s28] =	ssyncadd.s32 $0xFFFFFFFF  }
0x9d: {  	s6 =	simm.s32 @!p0 $0x10;
	[smem:$0x3FD2] =	sst s29  }
0x9e: {  	_ =	strace $0x80000046;
	s4 =	sadd.s32 $0x600, s5;
	s5 =	simm.s32 @!p0 $0xA  }
0x9f: {  	[smem:s6], [sflag:s5] =	dma.local @!p0 [hbm:s4], $0x10  }
0xa0: {  	_ =	swait.ge @!p0 [sflag:s5], $0x10  }
0xa1: {  	[sflag:s5] =	ssyncset.done @!p0 $0x0  }
0xa2: {  	[sflag:s5] =	ssyncadd.s32 @!p0 $0xFFFFFFF0  }
0xa3: {  	s4 =	sld @!p0 [smem:$0x10];
	_ =	sdelay $0x3  }
0xa4: {  	s5 =	sshll.u32 @!p0 s4, $0xA;
	s4 =	sshll.u32 @!p0 s4, $0x7  }
0xa5: {  	s5 =	sand.u32 @!p0 $0xFFFFE000, s5;
	s4 =	sand.u32 @!p0 $0x380, s4  }
0xa6: {  	s4 =	sor.u32 @!p0 s4, s5  }
0xa7: {  	s7 =	simm.s32 @!p0 $0x9;
	s4 =	sshrl.u32 @!p0 s4, $0x3  }
0xa8: {  	s5 =	simm.s32 @!p0 $0x80;
	s0 =	sadd.s32 @!p0 s0, s4;
	s4 =	simm.s32 @!p0 $0x1  }
0xa9: {  	[hbm:s1@s6], [sflag:s7] =	dma.strided @!p0 [hbm:s0@s5], $0x80, s4, $0x10   }
0xaa: {  	_ =	swait.ge @!p0 [sflag:s7], $0x80  }
0xab: {  	[sflag:s7] =	ssyncset.done @!p0 $0x0  }
0xac: {  	[sflag:s7] =	ssyncadd.s32 @!p0 $0xFFFFFF80  }
0xad: {  	_ =	strace $0x90000046  }
0xae: {  	_ =	sfence  }
0xaf: {  	s30 =	sld [smem:$0x0];
	_ =	sdelay $0x2  }
0xb0: {  	s31 =	sshll.u32 s2, $0xD;
	s2 =	sshrl.u32 s2, $0x2  }
0xb1: {  	s1 =	sand.u32 $0x4000, s31;
	s0 =	sadd.s32 s2, s30  }
0xb2: {  	s1 =	sor.u32 s1, s3;
	s0 =	sshll.u32 s0, $0x11  }
0xb3: {  	s0 =	sor.u32 s0, s1  }
0xb4: {  	s0 =	sadd.s32 $0x8F2B, s0;
	(pc) =	sbr.abs _section_cstart, $3  }
0xb5: {  	[sflag:s0] =	ssyncadd.remote.s32 $0x1  }
0xb6: {  	_ =	strace $0x9FFFFFFF  }
0xb7: {  	(tm) =	ssettm $0x7FFFFFFF  }

</sc_bundles>
